<compile_context>
chip_gen: v7x
topology: tpu7x:2x2x1
jax: 0.10.2.dev20260603
libtpu: 0.0.44.dev20260713+nightly
codegen_flags: <defaults>
</compile_context>

<pallas_src>
import functools

import jax
import jax.numpy as jnp
from jax import lax
from jax.experimental import pallas as pl
from jax.experimental.pallas import tpu as pltpu
from jax.experimental.pallas import tpu_sc as plsc

_LANES = 16
_NC = 2
_NS = 16
_NW = _NC * _NS

_CHUNK = 16384


def _build(n):
    per_w = n // _NW
    nchunk = per_w // _CHUNK
    mesh = plsc.VectorSubcoreMesh(core_axis_name="c", subcore_axis_name="s")

    @functools.partial(
        pl.kernel,
        mesh=mesh,
        compiler_params=pltpu.CompilerParams(needs_layout_passes=False),
        out_type=jax.ShapeDtypeStruct((n,), jnp.float32),
        scratch_types=[
            pltpu.VMEM((118,), jnp.float32),
            pltpu.VMEM((_CHUNK,), jnp.int32),
            pltpu.VMEM((_CHUNK,), jnp.int32),
            pltpu.VMEM((_CHUNK,), jnp.float32),
            pltpu.VMEM((_CHUNK,), jnp.float32),
            pltpu.SemaphoreType.DMA,
            pltpu.SemaphoreType.DMA,
            pltpu.SemaphoreType.DMA,
            pltpu.SemaphoreType.DMA,
        ],
    )
    def run(z_hbm, tbl_hbm, out_hbm, tbl_v, z0, z1, o0, o1,
            si0, si1, so0, so1):
        wid = lax.axis_index("s") * _NC + lax.axis_index("c")
        base = wid * per_w
        pltpu.sync_copy(tbl_hbm, tbl_v)

        zbuf = (z0, z1)
        obuf = (o0, o1)
        isem = (si0, si1)
        osem = (so0, so1)

        def in_copy(c, b):
            return pltpu.make_async_copy(
                z_hbm.at[pl.ds(base + c * _CHUNK, _CHUNK)], zbuf[b], isem[b])

        def out_copy(c, b):
            return pltpu.make_async_copy(
                obuf[b],
                out_hbm.at[pl.ds(base + c * _CHUNK, _CHUNK)], osem[b])

        in_copy(0, 0).start()
        in_copy(1, 1).start()

        def chunk_pair(g, carry):
            for b in (0, 1):
                c = g * 2 + b
                in_copy(c, b).wait()

                @pl.when(c >= 2)
                def _():
                    out_copy(c - 2, b).wait()

                z_v = zbuf[b]
                o_v = obuf[b]

                @plsc.parallel_loop(0, _CHUNK, _LANES, unroll=8)
                def _(i):
                    zv = z_v[pl.ds(i, _LANES)]
                    o_v[pl.ds(i, _LANES)] = plsc.load_gather(
                        tbl_v, [zv - 1])

                @pl.when(c + 2 < nchunk)
                def _():
                    in_copy(c + 2, b).start()

                out_copy(c, b).start()
            return carry

        lax.fori_loop(0, nchunk // 2, chunk_pair, 0)
        out_copy(nchunk - 2, 0).wait()
        out_copy(nchunk - 1, 1).wait()

    return run


@jax.jit
def kernel(z, table):
    return _build(z.shape[0])(z.astype(jnp.int32), table.reshape(-1))

# --- scband reference (transcript-rebuilt; emitter-appended) ---
"""Pipeline reference for scband-atom-type-52123723104464 (READ-ONLY COPY).

The authoritative reference and input builder live on the scoring server;
editing this copy changes nothing except your own understanding.
"""

import jax, jax.numpy as jnp
import numpy as np

N_ATOMS = 4194304
SPECIES = np.arange(1, 119)  # all 118 atomic numbers


def setup_inputs(seed: int = 0) -> dict:
    key = jax.random.key(seed)
    # atomic numbers in [1, 118]; randint gives [0, 118) then +1 shift so z-1 is a valid row
    z = jax.random.randint(key, (N_ATOMS,), 0, 118) + 1
    # frozen lookup table: row (atomic_number - 1) -> compact id; -1 for absent species
    table_np = -1.0 * np.ones((118, 1), dtype=np.float32)
    for idx, zz in enumerate(SPECIES):
        table_np[zz - 1, 0] = float(idx)
    table = jnp.asarray(table_np)
    return {"z": z, "table": table}


def reference(z, table):
    # AtomType.forward with one_hot=False:
    #   idx = Embedding(118,1)(z - 1).squeeze()
    emb = jnp.take(table, z - 1, axis=0)  # [N, 1]
    idx = jnp.squeeze(emb, axis=-1)       # [N]
    return idx

if __name__ == "__main__":
    import jax
    _d = setup_inputs()
    print(jax.jit(kernel)(*tuple(_d.values())))

</pallas_src>

<mosaic_0001>
#map = affine_map<(d0, d1) -> (0)>
module attributes {stable_mosaic.version = 14 : i64} {
  func.func @run(%arg0: i32, %arg1: i32, %arg2: memref<4194304xi32, #tpu.memory_space<hbm>>, %arg3: memref<118xf32, #tpu.memory_space<hbm>>, %arg4: memref<4194304xf32, #tpu.memory_space<hbm>>, %arg5: memref<118xf32, #tpu.memory_space<vmem>>, %arg6: memref<16384xi32, #tpu.memory_space<vmem>>, %arg7: memref<16384xi32, #tpu.memory_space<vmem>>, %arg8: memref<16384xf32, #tpu.memory_space<vmem>>, %arg9: memref<16384xf32, #tpu.memory_space<vmem>>, %arg10: memref<!tpu.dma_semaphore, #tpu.memory_space<semaphore_mem>>, %arg11: memref<!tpu.dma_semaphore, #tpu.memory_space<semaphore_mem>>, %arg12: memref<!tpu.dma_semaphore, #tpu.memory_space<semaphore_mem>>, %arg13: memref<!tpu.dma_semaphore, #tpu.memory_space<semaphore_mem>>) attributes {dimension_semantics = [#tpu.dimension_semantics<core_parallel>, #tpu.dimension_semantics<subcore_parallel>], iteration_bounds = array<i64: 2, 16>, scalar_prefetch = 0 : i64, scratch_operands = 9 : i64, tpu.core_type = #tpu.core_type<sc_vector_subcore>, window_params = [{transform_indices = #map}, {transform_indices = #map}, {transform_indices = #map}]} {
    %mul3A = arith.constant 2 : i32
    %mul3A_0 = arith.muli %arg1, %mul3A : i32
    %add3A = arith.addi %mul3A_0, %arg0 : i32
    %mul3A_1 = arith.constant 131072 : i32
    %mul3A_2 = arith.muli %add3A, %mul3A_1 : i32
    "tpu.region"() ({
      %run_scoped3A = tpu.sem_alloc : memref<!tpu.dma_semaphore, #tpu.memory_space<semaphore_mem>>
      tpu.enqueue_dma source(%arg3 : memref<118xf32, #tpu.memory_space<hbm>>) target(%arg5 : memref<118xf32, #tpu.memory_space<vmem>>) target_semaphore(%run_scoped3A : memref<!tpu.dma_semaphore, #tpu.memory_space<semaphore_mem>>)
      tpu.wait_dma2 semaphore(%run_scoped3A : memref<!tpu.dma_semaphore, #tpu.memory_space<semaphore_mem>>) src(%arg3 : memref<118xf32, #tpu.memory_space<hbm>>) dst(%arg5 : memref<118xf32, #tpu.memory_space<vmem>>)
      tpu.yield
    }) : () -> ()
    %add3A_3 = arith.constant 0 : i32
    %add3A_4 = arith.addi %mul3A_2, %add3A_3 : i32
    %dma_start3A = tpu.memref_slice %arg2[%add3A_4] : memref<4194304xi32, #tpu.memory_space<hbm>> -> memref<16384xi32, #tpu.memory_space<hbm>>
    %dma_start3A_5 = tpu.memref_slice %arg2[%add3A_4] : memref<4194304xi32, #tpu.memory_space<hbm>> -> memref<16384xi32, #tpu.memory_space<hbm>>
    tpu.enqueue_dma source(%dma_start3A_5 : memref<16384xi32, #tpu.memory_space<hbm>>) target(%arg6 : memref<16384xi32, #tpu.memory_space<vmem>>) target_semaphore(%arg10 : memref<!tpu.dma_semaphore, #tpu.memory_space<semaphore_mem>>)
    %add3A_6 = arith.constant 16384 : i32
    %add3A_7 = arith.addi %mul3A_2, %add3A_6 : i32
    %dma_start3A_8 = tpu.memref_slice %arg2[%add3A_7] : memref<4194304xi32, #tpu.memory_space<hbm>> -> memref<16384xi32, #tpu.memory_space<hbm>>
    %dma_start3A_9 = tpu.memref_slice %arg2[%add3A_7] : memref<4194304xi32, #tpu.memory_space<hbm>> -> memref<16384xi32, #tpu.memory_space<hbm>>
    tpu.enqueue_dma source(%dma_start3A_9 : memref<16384xi32, #tpu.memory_space<hbm>>) target(%arg7 : memref<16384xi32, #tpu.memory_space<vmem>>) target_semaphore(%arg11 : memref<!tpu.dma_semaphore, #tpu.memory_space<semaphore_mem>>)
    %scan3A = arith.constant 0 : i32
    %scan3A_10 = arith.constant 0 : i32
    %scan3A_11 = arith.constant 4 : i32
    %scan3A_12 = arith.addi %scan3A_10, %scan3A_11 : i32
    %scan3A_13 = arith.constant 1 : i32
    scf.for %scan3A_22 = %scan3A_10 to %scan3A_12 step %scan3A_13  : i32 {
      %mul3A_23 = arith.constant 2 : i32
      %mul3A_24 = arith.muli %scan3A_22, %mul3A_23 : i32
      %add3A_25 = arith.constant 0 : i32
      %add3A_26 = arith.addi %mul3A_24, %add3A_25 : i32
      %mul3A_27 = arith.constant 16384 : i32
      %mul3A_28 = arith.muli %add3A_26, %mul3A_27 : i32
      %add3A_29 = arith.addi %mul3A_2, %mul3A_28 : i32
      %dma_wait3A_30 = tpu.memref_slice %arg2[%add3A_29] : memref<4194304xi32, #tpu.memory_space<hbm>> -> memref<16384xi32, #tpu.memory_space<hbm>>
      %dma_wait3A_31 = tpu.memref_slice %arg2[%add3A_29] : memref<4194304xi32, #tpu.memory_space<hbm>> -> memref<16384xi32, #tpu.memory_space<hbm>>
      tpu.wait_dma2 semaphore(%arg10 : memref<!tpu.dma_semaphore, #tpu.memory_space<semaphore_mem>>) src(%dma_wait3A_31 : memref<16384xi32, #tpu.memory_space<hbm>>) dst(%arg6 : memref<16384xi32, #tpu.memory_space<vmem>>)
      %ge3A = arith.constant 2 : i32
      %ge3A_32 = arith.cmpi sge, %add3A_26, %ge3A : i32
      %convert_element_type3A = arith.extui %ge3A_32 : i1 to i32
      %cond3A = arith.constant 0 : i32
      %cond3A_33 = arith.cmpi ne, %convert_element_type3A, %cond3A : i32
      scf.if %cond3A_33 {
        %sub3A = arith.constant 2 : i32
        %sub3A_76 = arith.subi %add3A_26, %sub3A : i32
        %mul3A_77 = arith.constant 16384 : i32
        %mul3A_78 = arith.muli %sub3A_76, %mul3A_77 : i32
        %add3A_79 = arith.addi %mul3A_2, %mul3A_78 : i32
        %dma_wait3A_80 = tpu.memref_slice %arg4[%add3A_79] : memref<4194304xf32, #tpu.memory_space<hbm>> -> memref<16384xf32, #tpu.memory_space<hbm>>
        %dma_wait3A_81 = tpu.memref_slice %arg4[%add3A_79] : memref<4194304xf32, #tpu.memory_space<hbm>> -> memref<16384xf32, #tpu.memory_space<hbm>>
        tpu.wait_dma2 semaphore(%arg12 : memref<!tpu.dma_semaphore, #tpu.memory_space<semaphore_mem>>) src(%arg8 : memref<16384xf32, #tpu.memory_space<vmem>>) dst(%dma_wait3A_81 : memref<16384xf32, #tpu.memory_space<hbm>>)
      } else {
      }
      %parallel_loop3A = arith.constant 0 : i32
      %parallel_loop3A_34 = arith.constant 16384 : i32
      %parallel_loop3A_35 = arith.constant 16 : i32
      scf.for %parallel_loop3A_76 = %parallel_loop3A to %parallel_loop3A_34 step %parallel_loop3A_35  : i32 {
        %parallel_loop3A_77 = arith.index_cast %parallel_loop3A_76 : i32 to index
        %parallel_loop3A_78 = tpu.vector_load %arg6[%parallel_loop3A_77] {strides = array<i32>} : memref<16384xi32, #tpu.memory_space<vmem>>, vector<16xi32>,
        %parallel_loop3A_79 = arith.constant 1 : i32
        %parallel_loop3A_80 = vector.broadcast %parallel_loop3A_79 : i32 to vector<16xi32>
        %parallel_loop3A_81 = arith.subi %parallel_loop3A_78, %parallel_loop3A_80 : vector<16xi32>
        %parallel_loop3A_82 = tpu.vector_load_idx %arg5[%parallel_loop3A_81] : memref<118xf32, #tpu.memory_space<vmem>>[vector<16xi32>], vector<16xf32>,
        %parallel_loop3A_83 = arith.index_cast %parallel_loop3A_76 : i32 to index
        %parallel_loop3A_84 = tpu.vector_load %arg8[%parallel_loop3A_83] {strides = array<i32>} : memref<16384xf32, #tpu.memory_space<vmem>>, vector<16xf32>,
        tpu.vector_store %arg8[%parallel_loop3A_83], %parallel_loop3A_82 {strides = array<i32>} : memref<16384xf32, #tpu.memory_space<vmem>>, vector<16xf32>,
      } {sc.loop_unroll_factor = 8 : i64, sc.parallel_access}
      %add3A_36 = arith.constant 2 : i32
      %add3A_37 = arith.addi %add3A_26, %add3A_36 : i32
      %lt3A = arith.constant 8 : i32
      %lt3A_38 = arith.cmpi slt, %add3A_37, %lt3A : i32
      %convert_element_type3A_39 = arith.extui %lt3A_38 : i1 to i32
      %cond3A_40 = arith.constant 0 : i32
      %cond3A_41 = arith.cmpi ne, %convert_element_type3A_39, %cond3A_40 : i32
      scf.if %cond3A_41 {
        %add3A_76 = arith.constant 2 : i32
        %add3A_77 = arith.addi %add3A_26, %add3A_76 : i32
        %mul3A_78 = arith.constant 16384 : i32
        %mul3A_79 = arith.muli %add3A_77, %mul3A_78 : i32
        %add3A_80 = arith.addi %mul3A_2, %mul3A_79 : i32
        %dma_start3A_81 = tpu.memref_slice %arg2[%add3A_80] : memref<4194304xi32, #tpu.memory_space<hbm>> -> memref<16384xi32, #tpu.memory_space<hbm>>
        %dma_start3A_82 = tpu.memref_slice %arg2[%add3A_80] : memref<4194304xi32, #tpu.memory_space<hbm>> -> memref<16384xi32, #tpu.memory_space<hbm>>
        tpu.enqueue_dma source(%dma_start3A_82 : memref<16384xi32, #tpu.memory_space<hbm>>) target(%arg6 : memref<16384xi32, #tpu.memory_space<vmem>>) target_semaphore(%arg10 : memref<!tpu.dma_semaphore, #tpu.memory_space<semaphore_mem>>)
      } else {
      }
      %mul3A_42 = arith.constant 16384 : i32
      %mul3A_43 = arith.muli %add3A_26, %mul3A_42 : i32
      %add3A_44 = arith.addi %mul3A_2, %mul3A_43 : i32
      %dma_start3A_45 = tpu.memref_slice %arg4[%add3A_44] : memref<4194304xf32, #tpu.memory_space<hbm>> -> memref<16384xf32, #tpu.memory_space<hbm>>
      %dma_start3A_46 = tpu.memref_slice %arg4[%add3A_44] : memref<4194304xf32, #tpu.memory_space<hbm>> -> memref<16384xf32, #tpu.memory_space<hbm>>
      tpu.enqueue_dma source(%arg8 : memref<16384xf32, #tpu.memory_space<vmem>>) target(%dma_start3A_46 : memref<16384xf32, #tpu.memory_space<hbm>>) target_semaphore(%arg12 : memref<!tpu.dma_semaphore, #tpu.memory_space<semaphore_mem>>)
      %mul3A_47 = arith.constant 2 : i32
      %mul3A_48 = arith.muli %scan3A_22, %mul3A_47 : i32
      %add3A_49 = arith.constant 1 : i32
      %add3A_50 = arith.addi %mul3A_48, %add3A_49 : i32
      %mul3A_51 = arith.constant 16384 : i32
      %mul3A_52 = arith.muli %add3A_50, %mul3A_51 : i32
      %add3A_53 = arith.addi %mul3A_2, %mul3A_52 : i32
      %dma_wait3A_54 = tpu.memref_slice %arg2[%add3A_53] : memref<4194304xi32, #tpu.memory_space<hbm>> -> memref<16384xi32, #tpu.memory_space<hbm>>
      %dma_wait3A_55 = tpu.memref_slice %arg2[%add3A_53] : memref<4194304xi32, #tpu.memory_space<hbm>> -> memref<16384xi32, #tpu.memory_space<hbm>>
      tpu.wait_dma2 semaphore(%arg11 : memref<!tpu.dma_semaphore, #tpu.memory_space<semaphore_mem>>) src(%dma_wait3A_55 : memref<16384xi32, #tpu.memory_space<hbm>>) dst(%arg7 : memref<16384xi32, #tpu.memory_space<vmem>>)
      %ge3A_56 = arith.constant 2 : i32
      %ge3A_57 = arith.cmpi sge, %add3A_50, %ge3A_56 : i32
      %convert_element_type3A_58 = arith.extui %ge3A_57 : i1 to i32
      %cond3A_59 = arith.constant 0 : i32
      %cond3A_60 = arith.cmpi ne, %convert_element_type3A_58, %cond3A_59 : i32
      scf.if %cond3A_60 {
        %sub3A = arith.constant 2 : i32
        %sub3A_76 = arith.subi %add3A_50, %sub3A : i32
        %mul3A_77 = arith.constant 16384 : i32
        %mul3A_78 = arith.muli %sub3A_76, %mul3A_77 : i32
        %add3A_79 = arith.addi %mul3A_2, %mul3A_78 : i32
        %dma_wait3A_80 = tpu.memref_slice %arg4[%add3A_79] : memref<4194304xf32, #tpu.memory_space<hbm>> -> memref<16384xf32, #tpu.memory_space<hbm>>
        %dma_wait3A_81 = tpu.memref_slice %arg4[%add3A_79] : memref<4194304xf32, #tpu.memory_space<hbm>> -> memref<16384xf32, #tpu.memory_space<hbm>>
        tpu.wait_dma2 semaphore(%arg13 : memref<!tpu.dma_semaphore, #tpu.memory_space<semaphore_mem>>) src(%arg9 : memref<16384xf32, #tpu.memory_space<vmem>>) dst(%dma_wait3A_81 : memref<16384xf32, #tpu.memory_space<hbm>>)
      } else {
      }
      %parallel_loop3A_61 = arith.constant 0 : i32
      %parallel_loop3A_62 = arith.constant 16384 : i32
      %parallel_loop3A_63 = arith.constant 16 : i32
      scf.for %parallel_loop3A_76 = %parallel_loop3A_61 to %parallel_loop3A_62 step %parallel_loop3A_63  : i32 {
        %parallel_loop3A_77 = arith.index_cast %parallel_loop3A_76 : i32 to index
        %parallel_loop3A_78 = tpu.vector_load %arg7[%parallel_loop3A_77] {strides = array<i32>} : memref<16384xi32, #tpu.memory_space<vmem>>, vector<16xi32>,
        %parallel_loop3A_79 = arith.constant 1 : i32
        %parallel_loop3A_80 = vector.broadcast %parallel_loop3A_79 : i32 to vector<16xi32>
        %parallel_loop3A_81 = arith.subi %parallel_loop3A_78, %parallel_loop3A_80 : vector<16xi32>
        %parallel_loop3A_82 = tpu.vector_load_idx %arg5[%parallel_loop3A_81] : memref<118xf32, #tpu.memory_space<vmem>>[vector<16xi32>], vector<16xf32>,
        %parallel_loop3A_83 = arith.index_cast %parallel_loop3A_76 : i32 to index
        %parallel_loop3A_84 = tpu.vector_load %arg9[%parallel_loop3A_83] {strides = array<i32>} : memref<16384xf32, #tpu.memory_space<vmem>>, vector<16xf32>,
        tpu.vector_store %arg9[%parallel_loop3A_83], %parallel_loop3A_82 {strides = array<i32>} : memref<16384xf32, #tpu.memory_space<vmem>>, vector<16xf32>,
      } {sc.loop_unroll_factor = 8 : i64, sc.parallel_access}
      %add3A_64 = arith.constant 2 : i32
      %add3A_65 = arith.addi %add3A_50, %add3A_64 : i32
      %lt3A_66 = arith.constant 8 : i32
      %lt3A_67 = arith.cmpi slt, %add3A_65, %lt3A_66 : i32
      %convert_element_type3A_68 = arith.extui %lt3A_67 : i1 to i32
      %cond3A_69 = arith.constant 0 : i32
      %cond3A_70 = arith.cmpi ne, %convert_element_type3A_68, %cond3A_69 : i32
      scf.if %cond3A_70 {
        %add3A_76 = arith.constant 2 : i32
        %add3A_77 = arith.addi %add3A_50, %add3A_76 : i32
        %mul3A_78 = arith.constant 16384 : i32
        %mul3A_79 = arith.muli %add3A_77, %mul3A_78 : i32
        %add3A_80 = arith.addi %mul3A_2, %mul3A_79 : i32
        %dma_start3A_81 = tpu.memref_slice %arg2[%add3A_80] : memref<4194304xi32, #tpu.memory_space<hbm>> -> memref<16384xi32, #tpu.memory_space<hbm>>
        %dma_start3A_82 = tpu.memref_slice %arg2[%add3A_80] : memref<4194304xi32, #tpu.memory_space<hbm>> -> memref<16384xi32, #tpu.memory_space<hbm>>
        tpu.enqueue_dma source(%dma_start3A_82 : memref<16384xi32, #tpu.memory_space<hbm>>) target(%arg7 : memref<16384xi32, #tpu.memory_space<vmem>>) target_semaphore(%arg11 : memref<!tpu.dma_semaphore, #tpu.memory_space<semaphore_mem>>)
      } else {
      }
      %mul3A_71 = arith.constant 16384 : i32
      %mul3A_72 = arith.muli %add3A_50, %mul3A_71 : i32
      %add3A_73 = arith.addi %mul3A_2, %mul3A_72 : i32
      %dma_start3A_74 = tpu.memref_slice %arg4[%add3A_73] : memref<4194304xf32, #tpu.memory_space<hbm>> -> memref<16384xf32, #tpu.memory_space<hbm>>
      %dma_start3A_75 = tpu.memref_slice %arg4[%add3A_73] : memref<4194304xf32, #tpu.memory_space<hbm>> -> memref<16384xf32, #tpu.memory_space<hbm>>
      tpu.enqueue_dma source(%arg9 : memref<16384xf32, #tpu.memory_space<vmem>>) target(%dma_start3A_75 : memref<16384xf32, #tpu.memory_space<hbm>>) target_semaphore(%arg13 : memref<!tpu.dma_semaphore, #tpu.memory_space<semaphore_mem>>)
    }
    %scan3A_14 = arith.constant 4 : i32
    %add3A_15 = arith.constant 98304 : i32
    %add3A_16 = arith.addi %mul3A_2, %add3A_15 : i32
    %dma_wait3A = tpu.memref_slice %arg4[%add3A_16] : memref<4194304xf32, #tpu.memory_space<hbm>> -> memref<16384xf32, #tpu.memory_space<hbm>>
    %dma_wait3A_17 = tpu.memref_slice %arg4[%add3A_16] : memref<4194304xf32, #tpu.memory_space<hbm>> -> memref<16384xf32, #tpu.memory_space<hbm>>
    tpu.wait_dma2 semaphore(%arg12 : memref<!tpu.dma_semaphore, #tpu.memory_space<semaphore_mem>>) src(%arg8 : memref<16384xf32, #tpu.memory_space<vmem>>) dst(%dma_wait3A_17 : memref<16384xf32, #tpu.memory_space<hbm>>)
    %add3A_18 = arith.constant 114688 : i32
    %add3A_19 = arith.addi %mul3A_2, %add3A_18 : i32
    %dma_wait3A_20 = tpu.memref_slice %arg4[%add3A_19] : memref<4194304xf32, #tpu.memory_space<hbm>> -> memref<16384xf32, #tpu.memory_space<hbm>>
    %dma_wait3A_21 = tpu.memref_slice %arg4[%add3A_19] : memref<4194304xf32, #tpu.memory_space<hbm>> -> memref<16384xf32, #tpu.memory_space<hbm>>
    tpu.wait_dma2 semaphore(%arg13 : memref<!tpu.dma_semaphore, #tpu.memory_space<semaphore_mem>>) src(%arg9 : memref<16384xf32, #tpu.memory_space<vmem>>) dst(%dma_wait3A_21 : memref<16384xf32, #tpu.memory_space<hbm>>)
    return
  }
}

</mosaic_0001>

<sc_bundles>
// kernel: kernel.3.cloned.1.call-start
scs
__scs_entry_jumppad:
0x0: {  	(pc) =	sbr.rel $0x88, $3  }
0x1: {  	(tag) =	ssettag $0x0;
	lr =	simm.s32 $0x1  }
0x2: {  	[smem:$0x3F9F] =	sst lr;
	_ =	strace $0xD0000000  }
0x3: {  	_ = 	snop  }
0x4: {  	_ = 	snop  }
0x5: {  	_ = 	snop  }
0x6: {  	_ = 	snop  }
0x7: {  	_ = 	snop  }
__scs_overlays_trampoline_lowered:
0x8: {  	[smem:$0x3FAE] =	sst s0  }
0x9: {  	[smem:$0x3FAF] =	sst s1  }
0xa: {  	[smem:$0x3FB0] =	sst s2  }
0xb: {  	[smem:$0x3FB1] =	sst s3  }
0xc: {  	[smem:$0x3FB2] =	sst s4  }
0xd: {  	[smem:$0x3FB3] =	sst s5  }
0xe: {  	[smem:$0x3FB4] =	sst s6  }
0xf: {  	[smem:$0x3FB5] =	sst s7  }
0x10: {  	[smem:$0x3FB6] =	sst s8  }
0x11: {  	[smem:$0x3FB7] =	sst s9;
	s0 =	simm.s32 @!p0 $0x0  }
0x12: {  	s1 =	sld [smem:$0x3F9D];
	s0 =	simm.s32 @p0 $0x1  }
0x13: {  	[smem:$0x3FB8] =	sst s0;
	s0 =	simm.s32 @!p1 $0x0  }
0x14: {  	s2 =	sld [smem:$0x3F9C];
	s0 =	simm.s32 @p1 $0x1  }
0x15: {  	[smem:$0x3FB9] =	sst s0;
	s0 =	simm.s32 @!p2 $0x0  }
0x16: {  	s3 =	sld [smem:$0x3FDB];
	s0 =	simm.s32 @p2 $0x1  }
0x17: {  	s4 =	simm.s32 $0x1BF5;
	[smem:$0x3FBB] =	sst s0  }
0x18: {  	s0 =	sld [smem:$0x3F9E];
	_ =	swait.ge [sflag:s4], $0x0  }
0x19: {  	s7 =	sld [smem:$0x3F9F]  }
0x1a: {  	s8 =	sadd.s32 $0xFFFFE003, lr  }
0x1b: {  	s9 =	sadd.s32 $0xFFFFFEF7, lr;
	s5 =	simm.s32 $0xFFFFFFFF;
	p2 =	slt.u32 s8, $0xFFFFF086  }
0x1c: {  	p1 =	slt.u32 s9, $0xF7A;
	s5 =	simm.s32 @!p2 $0x0  }
0x1d: {  	s5 =	simm.s32 @p1 $0x1;
	p0 =	seq.s32 s7, s2  }
0x1e: {  	s7 =	smul.u32 @!p0 $0xF7A, s2;
	p2 =	seq.s32 @!p0 s5, $0x0  }
0x1f: {  	s9 =	smul.u32 $0xF7A, s1;
	s8 =	simm.s32 @!p0 $0x1BF5;
	p2 =	por !p2, p0  }
0x20: {  	[sflag:s8] =	ssyncset.s32 @!p0 $0xFFFFF086;
	s6 =	sadd.s32 @!p0 s3, s7;
	s7 =	simm.s32 @!p0 $0x108  }
0x21: {  	s3 =	sadd.s32 s3, s9;
	s6 =	sadd.s32 @!p0 $0x88, s6;
	s7 =	simm.s32 @p2 $0x1082  }
0x22: {  	[simem:s7], [sflag:s8] =	dma.local @!p0 [hbm:s6], $0xF7A  }
0x23: {  	s9 =	sor.u32 $0xD0000000, s2;
	s6 =	simm.s32 $0x108;
	_ =	swait.ge @!p0 [sflag:s8], $0x0  }
0x24: {  	s3 =	sadd.s32 $0x88, s3;
	s6 =	simm.s32 @!p1 $0x1082;
	[sflag:s4] =	ssyncset.s32 $0xFFFFF086  }
0x25: {  	[simem:s6], [sflag:s4] =	dma.local [hbm:s3], $0xF7A  }
0x26: {  	[smem:$0x3F9F] =	sst s1;
	(tag) =	ssettag s2;
	_ =	strace s9  }
0x27: {  	s1 =	sld [smem:$0x3FAF]  }
0x28: {  	s2 =	sld [smem:$0x3FB0]  }
0x29: {  	s4 =	sld [smem:$0x3FB2]  }
0x2a: {  	p0 =	seq.s32 s5, $0x0;
	s5 =	sld [smem:$0x3FB3]  }
0x2b: {  	s6 =	sld [smem:$0x3FB4]  }
0x2c: {  	s7 =	sld [smem:$0x3FB5]  }
0x2d: {  	s3 =	simm.s32 $0x108;
	s8 =	sld [smem:$0x3FB6]  }
0x2e: {  	s3 =	simm.s32 @!p0 $0x1082;
	s9 =	sld [smem:$0x3FB7]  }
0x2f: {  	lr =	sadd.s32 s0, s3;
	s0 =	sld [smem:$0x3FAE]  }
0x30: {  	s3 =	sld [smem:$0x3FB1]  }
0x31: {  	[smem:$0x3FBA] =	sst s10  }
0x32: {  	s10 =	sld [smem:$0x3FB8];
	_ =	sdelay $0x3  }
0x33: {  	p0 =	seq.s32 s10, $0x1;
	s10 =	sld [smem:$0x3FBA];
	_ =	sdelay $0x3  }
0x34: {  	[smem:$0x3FBA] =	sst s10  }
0x35: {  	s10 =	sld [smem:$0x3FB9];
	_ =	sdelay $0x3  }
0x36: {  	p1 =	seq.s32 s10, $0x1;
	s10 =	sld [smem:$0x3FBA];
	_ =	sdelay $0x3  }
0x37: {  	[smem:$0x3FBA] =	sst s10  }
0x38: {  	s10 =	sld [smem:$0x3FBB]  }
0x39: {  	_ = 	snop;
	(pc) =	sbr.ind lr, $3  }
0x3a: {  	_ = 	snop  }
0x3b: {  	_ = 	snop  }
0x3c: {  	p2 =	seq.s32 s10, $0x1;
	s10 =	sld [smem:$0x3FBA]  }
0x3d: {  	_ =	shalt  }
0x3e: {  	_ =	shalt  }
0x3f: {  	_ =	shalt  }
0x40: {  	_ =	shalt  }
0x41: {  	_ =	shalt  }
0x42: {  	_ =	shalt  }
0x43: {  	_ =	shalt  }
0x44: {  	_ =	shalt  }
0x45: {  	_ =	shalt  }
0x46: {  	_ =	shalt  }
0x47: {  	_ =	shalt  }
0x48: {  	_ =	shalt  }
0x49: {  	_ =	shalt  }
0x4a: {  	_ =	shalt  }
0x4b: {  	_ =	shalt  }
0x4c: {  	_ =	shalt  }
0x4d: {  	_ =	shalt  }
0x4e: {  	_ =	shalt  }
0x4f: {  	_ =	shalt  }
0x50: {  	_ =	shalt  }
0x51: {  	_ =	shalt  }
0x52: {  	_ =	shalt  }
0x53: {  	_ =	shalt  }
0x54: {  	_ =	shalt  }
0x55: {  	_ =	shalt  }
0x56: {  	_ =	shalt  }
0x57: {  	_ =	shalt  }
0x58: {  	_ =	shalt  }
0x59: {  	_ =	shalt  }
0x5a: {  	_ =	shalt  }
0x5b: {  	_ =	shalt  }
0x5c: {  	_ =	shalt  }
0x5d: {  	_ =	shalt  }
0x5e: {  	_ =	shalt  }
0x5f: {  	_ =	shalt  }
0x60: {  	_ =	shalt  }
0x61: {  	_ =	shalt  }
0x62: {  	_ =	shalt  }
0x63: {  	_ =	shalt  }
0x64: {  	_ =	shalt  }
0x65: {  	_ =	shalt  }
0x66: {  	_ =	shalt  }
0x67: {  	_ =	shalt  }
0x68: {  	_ =	shalt  }
0x69: {  	_ =	shalt  }
0x6a: {  	_ =	shalt  }
0x6b: {  	_ =	shalt  }
0x6c: {  	_ =	shalt  }
0x6d: {  	_ =	shalt  }
0x6e: {  	_ =	shalt  }
0x6f: {  	_ =	shalt  }
0x70: {  	_ =	shalt  }
0x71: {  	_ =	shalt  }
0x72: {  	_ =	shalt  }
0x73: {  	_ =	shalt  }
0x74: {  	_ =	shalt  }
0x75: {  	_ =	shalt  }
0x76: {  	_ =	shalt  }
0x77: {  	_ =	shalt  }
0x78: {  	_ =	shalt  }
0x79: {  	_ =	shalt  }
0x7a: {  	_ =	shalt  }
0x7b: {  	_ =	shalt  }
0x7c: {  	_ =	shalt  }
0x7d: {  	_ =	shalt  }
0x7e: {  	_ =	shalt  }
0x7f: {  	_ =	shalt  }
0x80: {  	_ =	shalt  }
0x81: {  	_ =	shalt  }
0x82: {  	_ =	shalt  }
0x83: {  	_ =	shalt  }
0x84: {  	_ =	shalt  }
0x85: {  	_ =	shalt  }
0x86: {  	_ =	shalt  }
0x87: {  	_ =	shalt  }
.Lfunc_end0:
.L_simem_size_0:
called_computation_lowered:
.L_overlay_start_0:
0x88: {  	s2 =	sld [smem:$0x3FD9]  }
0x89: {  	s3 =	sld [smem:$0x3FFE];
	_ =	sdelay $0x1  }
0x8a: {  	s1 =	srdreg.scid  }
0x8b: {  	s0 =	sand.u32 $0x1, s1  }
0x8c: {  	s18 =	sshll.u32 s0, $0xA;
	s2 =	sadd.s32 s3, s2  }
0x8d: {  	s2 =	sadd.s32 s2, s18  }
0x8e: {  	[smem:$0x3FC6] =	sst s2  }
0x8f: {  	_ = 	snop  }
0x90: {  	s2 =	sld [smem:$0x3FC9]  }
0x91: {  	s19 =	sld [smem:$0x3FC8]  }
0x92: {  	s4 =	sld [smem:$0x3FD0];
	(tm) =	ssettm $0x1  }
0x93: {  	s5 =	sld [smem:$0x3FFB];
	_ =	sdelay $0x3  }
0x94: {  	_ =	strace s5  }
0x95: {  	s5 =	sld [smem:$0x3FFC];
	_ =	sdelay $0x3  }
0x96: {  	_ =	strace s5  }
0x97: {  	s5 =	sld [smem:$0x3FFD];
	_ =	sdelay $0x3  }
0x98: {  	_ =	strace s5  }
0x99: {  	_ =	strace $0x8FFFFFFF  }
0x9a: {  	s20 =	sld [smem:$0x3FDB];
	_ =	sdelay $0x1  }
0x9b: {  	s6 =	simm.s32 $_scs_section_size  }
0x9c: {  	s7 =	simm.s32 $_size__tile_overlayer_lowered;
	s8 =	simm.s32 $_tile_overlayer_lowered  }
0x9d: {  	s23 =	simm.s32 $0x1BFF;
	s22 =	sshll.u32 s8, $0x1;
	s5 =	sadd.s32 s6, s20  }
0x9e: {  	s9 =	simm.s32 $0x0;
	s21 =	sshll.u32 s7, $0x1;
	s7 =	sadd.s32 s22, s5  }
0x9f: {  	[timem:s9], [sflag:s23] =	dma.local [hbm:s7], s21  }
0xa0: {  	_ =	swait.ge [sflag:s23], s21  }
0xa1: {  	s6 =	ssub.s32 $0x0, s21;
	[sflag:s23] =	ssyncset.done $0x0  }
0xa2: {  	[sflag:s23] =	ssyncadd.s32 s6;
	_ =	sdelay $0x1  }
0xa3: {  	s24 =	simm.s32 $0x1B8B  }
0xa4: {  	_ =	swait.ge [sflag:s24], $0x1  }
0xa5: {  	[sflag:s24] =	ssyncset.done $0x0  }
0xa6: {  	s25 =	simm.s32 $0x1B8E;
	[sflag:s24] =	ssyncadd.s32 $0xFFFFFFFF  }
0xa7: {  	s26 =	simm.s32 $execute0_lowered;
	[smem:$0x3FD2] =	sst s25  }
0xa8: {  	s6 =	sshll.u32 s26, $0x1;
	_ =	strace $0x80000046;
	[dreg:$0x1] =	wrdreg $0xFFFFFFFF  }
0xa9: {  	s28 =	simm.s32 $_size_execute0_lowered;
	s5 =	sadd.s32 s5, s6;
	[dreg:$0x0] =	wrdreg $0x0  }
0xaa: {  	s6 =	sshll.u32 s28, $0x1;
	[dreg:$0x2] =	wrdreg s5  }
0xab: {  	[dreg:$0x3] =	wrdreg s6  }
0xac: {  	[dreg:$0x4] =	wrdreg $0xC0  }
0xad: {  	_ =	task [dreg:s9], $0x5FFFF  }
0xae: {  	[dreg:$0x1] =	wrdreg $0xFFFFFFFF  }
0xaf: {  	[dreg:$0x0] =	wrdreg $0x60  }
0xb0: {  	[dreg:$0x2] =	wrdreg s2  }
0xb1: {  	[dreg:$0x3] =	wrdreg s19  }
0xb2: {  	[dreg:$0x4] =	wrdreg s4  }
0xb3: {  	[dreg:$0x5] =	wrdreg $0x9  }
0xb4: {  	_ =	task.clear_ibuf [dreg:s9], $0x6FFFF;
	_ =	strace $0x90000046  }
0xb5: {  	s29 =	simm.s32 $0x9;
	_ =	strace $0x80000048  }
0xb6: {  	_ =	swait.ge [sflag:s29], $0x1  }
0xb7: {  	[sflag:s29] =	ssyncadd.s32 $0xFFFFFFFF  }
0xb8: {  	_ =	strace $0x90000048  }
0xb9: {  	_ =	sfence  }
0xba: {  	s30 =	sld [smem:$0x0];
	_ =	sdelay $0x2  }
0xbb: {  	s31 =	sshll.u32 s1, $0xD;
	s1 =	sshrl.u32 s1, $0x2  }
0xbc: {  	s3 =	sand.u32 $0x4000, s31;
	s1 =	sadd.s32 s1, s30  }
0xbd: {  	s0 =	sor.u32 s3, s0;
	s1 =	sshll.u32 s1, $0x11  }
0xbe: {  	s0 =	sor.u32 s1, s0  }
0xbf: {  	s0 =	sadd.s32 $0x8F2B, s0  }
0xc0: {  	[sflag:s0] =	ssyncadd.remote.s32 $0x1  }
0xc1: {  	_ =	sfence.sel $0xFFFF  }
0xc2: {  	[dreg:$0x0] =	wrdreg $0xFFFFFFFF;
	(pc) =	sbr.abs _section_cstart, $3  }
0xc3: {  	[dreg:$0x1] =	wrdreg $0xFFFFFFFF  }
0xc4: {  	_ =	task.clear_ibuf [dreg:s9], $0x2FFFF;
	_ =	strace $0x9FFFFFFF  }
0xc5: {  	(tm) =	ssettm $0x7FFFFFFF  }
tec
execute0_lowered:
.L_overlay_start_1:
0x0: {  	(tag) =	ssettag $0x1  }
0x1: {  	s1 =	rddreg [dreg:$0x0]  }
0x2: {  	s2 =	srdreg.scid;
	s3 =	rddreg [dreg:$0x1]  }
0x3: {  	s0 =	stileid.u32;
	s4 =	rddreg [dreg:$0x2]  }
0x4: {  	s5 =	simm.s32 $0x0;
	s12 =	simm.s32 $0x5;
	s13 =	simm.s32 $0x80  }
0x5: {  	s14 =	simm.s32 $0x4080;
	s15 =	simm.s32 $0x1;
	s16 =	simm.s32 $0x8080  }
0x6: {  	s17 =	simm.s32 $0x2;
	s18 =	simm.s32 $0xC080;
	s19 =	simm.s32 $0x3  }
0x7: {  	s20 =	simm.s32 $0x4;
	s21 =	simm.s32 $0x0;
	s7 =	sand.u32 $0x1, s2  }
0x8: {  	s6 =	sshll.u32 s0, $0x12;
	s2 =	rddreg [dreg:$0x3];
	s8 =	sshll.u32 s7, $0x11  }
0x9: {  	[smem:$0x7FF] =	sst s5;
	s30 =	ssub.s32 $0x2, s7;
	s6 =	sor.u32 s8, s6  }
0xa: {  	_ =	strace $0x80000047;
	s9 =	sshrl.u32 s30, $0x1;
	s31 =	sshrl.u32 s6, $0x3  }
0xb: {  	s11 =	ssub.s32 s30, s9;
	s9 =	sor.u32 $0x8000, s6;
	s7 =	sadd.s32 s1, s31  }
0xc: {  	s10 =	sor.u32 $0xC000, s6;
	s11 =	smax.u32 s11, $0x1;
	s8 =	sadd.s32 $0x800, s7  }
.LBB2_1:
0xd: {  	[tilespmem:s5], [sflag:$0x5] =	stream.linear.gather [hbm4b:s3+s5], $0x80, $0x38;
	[tilespmem:$0x10080] =	vst v63  }
0xe: {  	_ =	swait.ge [sflag:s12], $0x80  }
0xf: {  	[sflag:s12] =	ssyncset.done $0x0  }
0x10: {  	[sflag:s12] =	ssyncadd.s32 $0xFFFFFF80  }
0x11: {  	[tilespmem:s13], [sflag:$0x1] =	stream.linear.gather [hbm4b:s7+s5], $0x4000, $0x38;
	[tilespmem:$0x10080] =	vst v63  }
0x12: {  	s22 =	simm.s32 $0x0  }
0x13: {  	[tilespmem:s14], [sflag:$0x2] =	stream.linear.gather [hbm4b:s8+s5], $0x4000, $0x38;
	[tilespmem:$0x10080] =	vst v63  }
.LBB2_2:
0x14: {  	_ =	swait.ge [sflag:s15], $0x4000  }
0x15: {  	p1 =	seq.s32 s22, $0x0;
	[sflag:s15] =	ssyncset.done $0x0  }
0x16: {  	s23 =	simm.s32 @!p1 $0x3;
	[sflag:s15] =	ssyncadd.s32 $0xFFFFC000  }
0x17: {  	_ =	swait.ge @!p1 [sflag:s23], $0x4000  }
0x18: {  	[sflag:s23] =	ssyncset.done @!p1 $0x0  }
0x19: {  	s31 =	simm.s32 $0xC0;
	[sflag:s23] =	ssyncadd.s32 @!p1 $0xFFFFC000  }
0x1a: {  	v0 =	vld [tilespmem:s31+$0x30]  }
0x1b: {  	v1 =	vld [tilespmem:s31+$0xFFFFFFD0]  }
0x1c: {  	v2 =	vld [tilespmem:s31+$0xFFFFFFE0]  }
0x1d: {  	v3 =	vld [tilespmem:s31+$0xFFFFFFF0]  }
0x1e: {  	v4 =	vld [tilespmem:s31+$0x0]  }
0x1f: {  	v5 =	vld [tilespmem:s31+$0x10];
	v0 =	vadd.s32 $0xFFFFFFFF, v0  }
0x20: {  	v1 =	vadd.s32 $0xFFFFFFFF, v1  }
0x21: {  	v2 =	vadd.s32 $0xFFFFFFFF, v2  }
0x22: {  	v6 =	vld [tilespmem:s31+$0x20];
	v3 =	vadd.s32 $0xFFFFFFFF, v3  }
0x23: {  	v8 =	vld [tilespmem:s31+$0xFFFFFFC0];
	v9 =	vadd.s32 $0xFFFFFFFF, v4  }
0x24: {  	v10 =	vadd.s32 $0xFFFFFFFF, v5;
	v7 =	vld.idx.msk [tilespmem:v0+s5+$0x0], $0xffff  }
0x25: {  	v4 =	vld.idx.msk [tilespmem:v1+s5+$0x0], $0xffff  }
0x26: {  	v5 =	vld.idx.msk [tilespmem:v2+s5+$0x0], $0xffff  }
0x27: {  	v2 =	vld.idx.msk [tilespmem:v3+s5+$0x0], $0xffff  }
0x28: {  	s25 =	simm.s32 $0x80C0;
	s23 =	sshll.u32 s22, $0xF;
	v3 =	vld.idx.msk [tilespmem:v9+s5+$0x0], $0xffff  }
0x29: {  	s26 =	simm.s32 $0x0;
	s28 =	simm.s32 $0x140;
	s24 =	sor.u32 s6, s23;
	v0 =	vadd.s32 $0xFFFFFFFF, v6;
	v1 =	vadd.s32 $0xFFFFFFFF, v8;
	v6 =	vld.idx.msk [tilespmem:v10+s5+$0x0], $0xffff  }
.LBB2_3:
0x2a: {  	v8 =	vld [tilespmem:s28+$0x30];
	s26 =	sadd.s32 $0x80, s26;
	[tilespmem:s25+$0x30] =	vst v7  }
0x2b: {  	v7 =	vld [tilespmem:s28+$0xFFFFFFD0];
	p0 =	slt.u32 s26, $0x3F80;
	[tilespmem:s25+$0xFFFFFFD0] =	vst v4  }
0x2c: {  	v4 =	vld [tilespmem:s28+$0xFFFFFFE0];
	[tilespmem:s25+$0xFFFFFFE0] =	vst v5  }
0x2d: {  	v5 =	vld [tilespmem:s28+$0xFFFFFFF0];
	[tilespmem:s25+$0xFFFFFFF0] =	vst v2  }
0x2e: {  	v2 =	vld [tilespmem:s28+$0x0];
	[tilespmem:s25+$0x0] =	vst v3  }
0x2f: {  	v3 =	vld [tilespmem:s28+$0x10];
	v8 =	vadd.s32 $0xFFFFFFFF, v8;
	[tilespmem:s25+$0x10] =	vst v6  }
0x30: {  	v6 =	vadd.s32 $0xFFFFFFFF, v7;
	v9 =	vld [tilespmem:s28+$0x20]  }
0x31: {  	v10 =	vld [tilespmem:s28+$0xFFFFFFC0];
	v11 =	vadd.s32 $0xFFFFFFFF, v4  }
0x32: {  	v12 =	vadd.s32 $0xFFFFFFFF, v5;
	v13 =	vld.idx.msk [tilespmem:v1+s5+$0x0], $0xffff  }
0x33: {  	v14 =	vadd.s32 $0xFFFFFFFF, v2;
	v15 =	vld.idx.msk [tilespmem:v0+s5+$0x0], $0xffff  }
0x34: {  	v16 =	vadd.s32 $0xFFFFFFFF, v3;
	v7 =	vld.idx.msk [tilespmem:v8+s5+$0x0], $0xffff  }
.Ltmp0:
0x35: {  	v4 =	vld.idx.msk [tilespmem:v6+s5+$0x0], $0xffff;
	v0 =	vadd.s32 $0xFFFFFFFF, v9;
	(pc) =	sbr.rel @p0 .LBB2_3-.Ltmp0, $4  }
0x36: {  	v1 =	vadd.s32 $0xFFFFFFFF, v10;
	v5 =	vld.idx.msk [tilespmem:v11+s5+$0x0], $0xffff  }
0x37: {  	v2 =	vld.idx.msk [tilespmem:v12+s5+$0x0], $0xffff  }
0x38: {  	v3 =	vld.idx.msk [tilespmem:v14+s5+$0x0], $0xffff;
	[tilespmem:s25+$0xFFFFFFC0] =	vst v13  }
0x39: {  	s28 =	sadd.s32 $0x80, s28;
	v6 =	vld.idx.msk [tilespmem:v16+s5+$0x0], $0xffff;
	[tilespmem:s25+$0x20] =	vst v15;
	s25 =	sadd.s32 $0x80, s25  }
0x3a: {  	_ =	sdelay $0x2  }
0x3b: {  	[tilespmem:s25+$0x30] =	vst v7  }
0x3c: {  	[tilespmem:s25+$0xFFFFFFD0] =	vst v4;
	v1 =	vld.idx.msk [tilespmem:v1+s5+$0x0], $0xffff  }
0x3d: {  	v0 =	vld.idx.msk [tilespmem:v0+s5+$0x0], $0xffff;
	[tilespmem:s25+$0xFFFFFFE0] =	vst v5  }
0x3e: {  	[tilespmem:s25+$0xFFFFFFF0] =	vst v2  }
0x3f: {  	p0 =	seq.s32 s22, $0x3;
	[tilespmem:s25+$0x0] =	vst v3  }
0x40: {  	s26 =	sadd.s32 @!p0 s23, s9;
	[tilespmem:s25+$0x10] =	vst v6  }
0x41: {  	s24 =	sshrl.u32 s24, $0x3;
	s26 =	sshrl.u32 @!p0 s26, $0x3;
	[tilespmem:s25+$0xFFFFFFC0] =	vst v1  }
0x42: {  	s28 =	simm.s32 @!p0 $0x80;
	[tilespmem:s25+$0x20] =	vst v0;
	s25 =	sadd.s32 @!p0 s1, s26;
	s26 =	simm.s32 @!p0 $0x0  }
0x43: {  	[tilespmem:s28], [sflag:$0x1] =	stream.linear.gather @!p0 [hbm4b:s25+s26], $0x4000, $0x38;
	[tilespmem:$0x10080] =	vst v63  }
0x44: {  	s30 =	sadd.s32 s4, s24  }
0x45: {  	[hbm4b:s30+s5] =	stream.linear.scatter [tilespmem:s16], [sflag:$0x3], $0x4000, $0x38;
	[tilespmem:$0x10080] =	vst v63  }
0x46: {  	_ =	swait.ge [sflag:s17], $0x4000  }
0x47: {  	[sflag:s17] =	ssyncset.done $0x0  }
0x48: {  	s25 =	simm.s32 @!p1 $0x4;
	[sflag:s17] =	ssyncadd.s32 $0xFFFFC000  }
0x49: {  	_ =	swait.ge @!p1 [sflag:s25], $0x4000  }
0x4a: {  	[sflag:s25] =	ssyncset.done @!p1 $0x0  }
0x4b: {  	s31 =	simm.s32 $0x40C0;
	[sflag:s25] =	ssyncadd.s32 @!p1 $0xFFFFC000  }
0x4c: {  	v0 =	vld [tilespmem:s31+$0x30]  }
0x4d: {  	v1 =	vld [tilespmem:s31+$0xFFFFFFD0]  }
0x4e: {  	v2 =	vld [tilespmem:s31+$0xFFFFFFE0]  }
0x4f: {  	v3 =	vld [tilespmem:s31+$0xFFFFFFF0]  }
0x50: {  	v4 =	vld [tilespmem:s31+$0x0]  }
0x51: {  	v5 =	vld [tilespmem:s31+$0x10];
	v0 =	vadd.s32 $0xFFFFFFFF, v0  }
0x52: {  	v1 =	vadd.s32 $0xFFFFFFFF, v1  }
0x53: {  	v2 =	vadd.s32 $0xFFFFFFFF, v2  }
0x54: {  	v6 =	vld [tilespmem:s31+$0x20];
	v3 =	vadd.s32 $0xFFFFFFFF, v3  }
0x55: {  	v8 =	vld [tilespmem:s31+$0xFFFFFFC0];
	v9 =	vadd.s32 $0xFFFFFFFF, v4  }
0x56: {  	v10 =	vadd.s32 $0xFFFFFFFF, v5;
	v7 =	vld.idx.msk [tilespmem:v0+s5+$0x0], $0xffff  }
0x57: {  	v4 =	vld.idx.msk [tilespmem:v1+s5+$0x0], $0xffff  }
0x58: {  	v5 =	vld.idx.msk [tilespmem:v2+s5+$0x0], $0xffff  }
0x59: {  	v3 =	vld.idx.msk [tilespmem:v3+s5+$0x0], $0xffff  }
0x5a: {  	v2 =	vld.idx.msk [tilespmem:v9+s5+$0x0], $0xffff  }
0x5b: {  	s26 =	simm.s32 $0x0;
	s28 =	simm.s32 $0x4140;
	s25 =	simm.s32 $0xC0C0;
	v0 =	vadd.s32 $0xFFFFFFFF, v6;
	v1 =	vadd.s32 $0xFFFFFFFF, v8;
	v6 =	vld.idx.msk [tilespmem:v10+s5+$0x0], $0xffff  }
.LBB2_5:
0x5c: {  	v8 =	vld [tilespmem:s28+$0x30];
	s26 =	sadd.s32 $0x80, s26;
	[tilespmem:s25+$0x30] =	vst v7  }
0x5d: {  	v7 =	vld [tilespmem:s28+$0xFFFFFFD0];
	p1 =	slt.u32 s26, $0x3F80;
	[tilespmem:s25+$0xFFFFFFD0] =	vst v4  }
0x5e: {  	v4 =	vld [tilespmem:s28+$0xFFFFFFE0];
	[tilespmem:s25+$0xFFFFFFE0] =	vst v5  }
0x5f: {  	v5 =	vld [tilespmem:s28+$0xFFFFFFF0];
	[tilespmem:s25+$0xFFFFFFF0] =	vst v3  }
0x60: {  	v3 =	vld [tilespmem:s28+$0x0];
	[tilespmem:s25+$0x0] =	vst v2  }
0x61: {  	v2 =	vld [tilespmem:s28+$0x10];
	v8 =	vadd.s32 $0xFFFFFFFF, v8;
	[tilespmem:s25+$0x10] =	vst v6  }
0x62: {  	v6 =	vadd.s32 $0xFFFFFFFF, v7;
	v9 =	vld [tilespmem:s28+$0x20]  }
0x63: {  	v10 =	vld [tilespmem:s28+$0xFFFFFFC0];
	v11 =	vadd.s32 $0xFFFFFFFF, v4  }
0x64: {  	v12 =	vadd.s32 $0xFFFFFFFF, v5;
	v13 =	vld.idx.msk [tilespmem:v1+s5+$0x0], $0xffff  }
0x65: {  	v14 =	vadd.s32 $0xFFFFFFFF, v3;
	v15 =	vld.idx.msk [tilespmem:v0+s5+$0x0], $0xffff  }
0x66: {  	v16 =	vadd.s32 $0xFFFFFFFF, v2;
	v7 =	vld.idx.msk [tilespmem:v8+s5+$0x0], $0xffff  }
.Ltmp1:
0x67: {  	v4 =	vld.idx.msk [tilespmem:v6+s5+$0x0], $0xffff;
	v0 =	vadd.s32 $0xFFFFFFFF, v9;
	(pc) =	sbr.rel @p1 .LBB2_5-.Ltmp1, $4  }
0x68: {  	v1 =	vadd.s32 $0xFFFFFFFF, v10;
	v5 =	vld.idx.msk [tilespmem:v11+s5+$0x0], $0xffff  }
0x69: {  	v3 =	vld.idx.msk [tilespmem:v12+s5+$0x0], $0xffff  }
0x6a: {  	v2 =	vld.idx.msk [tilespmem:v14+s5+$0x0], $0xffff;
	[tilespmem:s25+$0xFFFFFFC0] =	vst v13  }
0x6b: {  	s28 =	sadd.s32 $0x80, s28;
	v6 =	vld.idx.msk [tilespmem:v16+s5+$0x0], $0xffff;
	[tilespmem:s25+$0x20] =	vst v15;
	s25 =	sadd.s32 $0x80, s25  }
0x6c: {  	_ =	sdelay $0x2  }
0x6d: {  	[tilespmem:s25+$0x30] =	vst v7  }
0x6e: {  	[tilespmem:s25+$0xFFFFFFD0] =	vst v4;
	v1 =	vld.idx.msk [tilespmem:v1+s5+$0x0], $0xffff  }
0x6f: {  	v0 =	vld.idx.msk [tilespmem:v0+s5+$0x0], $0xffff;
	[tilespmem:s25+$0xFFFFFFE0] =	vst v5  }
0x70: {  	[tilespmem:s25+$0xFFFFFFF0] =	vst v3  }
0x71: {  	[tilespmem:s25+$0x0] =	vst v2  }
0x72: {  	s23 =	sadd.s32 @!p0 s23, s10;
	[tilespmem:s25+$0x10] =	vst v6  }
0x73: {  	s26 =	simm.s32 @!p0 $0x4080;
	s23 =	sshrl.u32 @!p0 s23, $0x3;
	[tilespmem:s25+$0xFFFFFFC0] =	vst v1  }
0x74: {  	s22 =	sadd.s32 $0x1, s22;
	s23 =	sadd.s32 @!p0 s1, s23;
	[tilespmem:s25+$0x20] =	vst v0;
	s25 =	simm.s32 @!p0 $0x0  }
0x75: {  	[tilespmem:s26], [sflag:$0x2] =	stream.linear.gather @!p0 [hbm4b:s23+s25], $0x4000, $0x38;
	[tilespmem:$0x10080] =	vst v63  }
0x76: {  	p0 =	sne.s32 s22, $0x4  }
.Ltmp2:
0x77: {  	_ = 	snop;
	(pc) =	sbr.rel @p0 .LBB2_2-.Ltmp2, $4  }
0x78: {  	_ = 	snop  }
0x79: {  	s31 =	sadd.s32 s24, s4  }
0x7a: {  	s23 =	sadd.s32 $0x800, s31  }
0x7b: {  	[hbm4b:s23+s5] =	stream.linear.scatter [tilespmem:s18], [sflag:$0x4], $0x4000, $0x38;
	[tilespmem:$0x10080] =	vst v63  }
0x7c: {  	s21 =	sadd.s32 $0x1, s21  }
0x7d: {  	_ =	swait.ge [sflag:s19], $0x4000;
	p0 =	sne.s32 s21, s11  }
.Ltmp3:
0x7e: {  	[sflag:s19] =	ssyncset.done $0x0;
	(pc) =	sbr.rel @p0 .LBB2_1-.Ltmp3, $4  }
0x7f: {  	[sflag:s19] =	ssyncadd.s32 $0xFFFFC000  }
0x80: {  	_ =	swait.ge [sflag:s20], $0x4000  }
0x81: {  	[sflag:s20] =	ssyncset.done $0x0  }
0x82: {  	[sflag:s20] =	ssyncadd.s32 $0xFFFFC000  }
0x83: {  	_ =	sfence.sel $0x180000  }
0x84: {  	[bflag:$0x0] =	sbarrier.arrive $0xFFFF  }
0x85: {  	p0 =	sne.s32 s0, $0x0;
	_ =	strace $0x90000047  }
0x86: {  	s0 =	sadd.s32 @!p0 $0x100000, s2;
	[bflag:$0x2] =	sbarrier.arrive $0xFFFF  }
0x87: {  	[sflag:s0] =	ssyncadd.tile.s32 @!p0 $0x1;
	_ =	shalt  }
.Lfunc_end2:
_tile_overlayer_lowered:
.L_overlay_start_2:
0x88: {  	(tag) =	ssettag $0x2  }
0x89: {  	s0 =	rddreg [dreg:$0x0];
	s2 =	stileid.u32  }
0x8a: {  	s1 =	rddreg [dreg:$0x1];
	p0 =	sne.s32 s2, $0x0  }
0x8b: {  	s3 =	rddreg [dreg:$0x2];
	[bflag:$0x3] =	sbarrier.arrive $0xFFFF;
	s2 =	simm.s32 @!p0 $0x1C05  }
0x8c: {  	[timem:s3], [sflag:s2] =	dma.local @!p0 [hbm:s0], s1  }
0x8d: {  	s0 =	simm.s32 @!p0 $0x5  }
0x8e: {  	_ =	swait.ge @!p0 [sflag:s0], s1  }
0x8f: {  	s1 =	ssub.s32 @!p0 $0x0, s1;
	[sflag:s0] =	ssyncset.done @!p0 $0x0  }
0x90: {  	[sflag:s0] =	ssyncadd.s32 @!p0 s1  }
0x91: {  	[bflag:$0x3] =	sbarrier.arrive $0xFFFF  }
0x92: {  	_ =	shalt  }

</sc_bundles>
